<compile_context>
chip_gen: v7x
topology: tpu7x:2x2x1
jax: 0.10.2.dev20260603
libtpu: 0.0.44.dev20260713+nightly
codegen_flags: <defaults>
</compile_context>

<pallas_src>
import jax
import jax.numpy as jnp
from jax import lax
from jax.experimental import pallas as pl
from jax.experimental.pallas import tpu as pltpu
from jax.experimental.pallas import tpu_sc as plsc

SEQ = 200
DIM = 64
ROWS = SEQ * DIM
NC = 2
NS = 16
NW = NC * NS
LAN = 16
W = 128
CSUB = 128
CRL = 4


def _sc_body(ex_hbm, cat_hbm, pos_hbm, out_hbm, ex_v, cat_v, out_v, pos_v, sem_a, sem_b):
    nsub = ex_hbm.shape[0]
    sub_per_row = nsub // ROWS
    chunks = nsub // CSUB
    cpw = chunks // NW
    wid = lax.axis_index("s") * NC + lax.axis_index("c")

    def chunk_body(i, _):
        c = wid * cpw + i
        s0 = c * CSUB
        src_ex = ex_hbm.at[pl.ds(s0, CSUB)]
        src_cat = cat_hbm.at[pl.ds(s0, CSUB)]
        cp_ex = pltpu.async_copy(src_ex, ex_v, sem_a)
        cp_cat = pltpu.async_copy(src_cat, cat_v, sem_b)
        pltpu.sync_copy(pos_hbm.at[pl.ds(c * CRL * LAN, CRL * LAN)], pos_v)
        cp_ex.wait()
        cp_cat.wait()
        for r in range(CRL):
            splat = pos_v[pl.ds(r * LAN, LAN)]

            def sub_body(q, _):
                row = r * sub_per_row + q

                def lane_body(j, _):
                    sl = pl.ds(j * LAN, LAN)
                    out_v[row, sl] = ex_v[row, sl] + cat_v[row, sl] + splat
                    return _

                lax.fori_loop(0, W // LAN, lane_body, 0)
                return _

            lax.fori_loop(0, sub_per_row, sub_body, 0)
        pltpu.sync_copy(out_v, out_hbm.at[pl.ds(s0, CSUB)])
        return _

    lax.fori_loop(0, cpw, chunk_body, 0)


def kernel(exercises, categories, position_embed):
    B = exercises.shape[0]
    nsub = ROWS * B // W
    ex2 = jnp.transpose(exercises, (1, 2, 0)).reshape(nsub, W)
    cat2 = jnp.transpose(categories, (1, 2, 0)).reshape(nsub, W)
    pos_rep = jnp.broadcast_to(
        position_embed.reshape(ROWS)[:, None], (ROWS, LAN)
    ).reshape(ROWS * LAN)
    mesh = plsc.VectorSubcoreMesh(core_axis_name="c", subcore_axis_name="s")
    sc_add = pl.kernel(
        _sc_body,
        out_type=jax.ShapeDtypeStruct((nsub, W), jnp.float32),
        mesh=mesh,
        scratch_types=[
            pltpu.VMEM((CSUB, W), jnp.float32),
            pltpu.VMEM((CSUB, W), jnp.float32),
            pltpu.VMEM((CSUB, W), jnp.float32),
            pltpu.VMEM((CRL * LAN,), jnp.float32),
            pltpu.SemaphoreType.DMA,
            pltpu.SemaphoreType.DMA,
        ],
    )
    out2 = sc_add(ex2, cat2, pos_rep)
    return jnp.transpose(out2.reshape(SEQ, DIM, B), (2, 0, 1))

# --- scband reference (transcript-rebuilt; emitter-appended) ---
"""Pipeline reference for scband-encoder-embedding-22531398435078 (READ-ONLY COPY).

The authoritative reference and input builder live on the scoring server;
editing this copy changes nothing except your own understanding.
"""

import jax, jax.numpy as jnp
import numpy as np

SEQ_LEN = 200
N_DIMS = 64
BATCH = 4096

def setup_inputs(seed: int = 0) -> dict:
    key = jax.random.key(seed)
    k1, k2, k3 = jax.random.split(key, 3)
    exercises = jax.random.normal(k1, (BATCH, SEQ_LEN, N_DIMS), dtype=jnp.float32)
    categories = jax.random.normal(k2, (BATCH, SEQ_LEN, N_DIMS), dtype=jnp.float32)
    # learned position embedding table, nn.Embedding default init ~ N(0,1)
    position_embed = jax.random.normal(k3, (SEQ_LEN, N_DIMS), dtype=jnp.float32)
    return {"exercises": exercises, "categories": categories, "position_embed": position_embed}

def reference(exercises, categories, position_embed):
    seq = jnp.arange(SEQ_LEN)[None, :]  # [1, seq_len]
    position = jnp.take(position_embed, seq, axis=0)  # [1, seq_len, n_dims]
    return exercises + categories + position

if __name__ == "__main__":
    import jax
    _d = setup_inputs()
    print(jax.jit(kernel)(*tuple(_d.values())))

</pallas_src>

<mosaic_0001>
#map = affine_map<(d0, d1) -> (0, 0)>
#map1 = affine_map<(d0, d1) -> (0)>
module attributes {stable_mosaic.version = 14 : i64} {
  func.func @_sc_body(%arg0: i32, %arg1: i32, %arg2: memref<409600x128xf32, #tpu.memory_space<hbm>>, %arg3: memref<409600x128xf32, #tpu.memory_space<hbm>>, %arg4: memref<204800xf32, #tpu.memory_space<hbm>>, %arg5: memref<409600x128xf32, #tpu.memory_space<hbm>>, %arg6: memref<128x128xf32, #tpu.memory_space<vmem>>, %arg7: memref<128x128xf32, #tpu.memory_space<vmem>>, %arg8: memref<128x128xf32, #tpu.memory_space<vmem>>, %arg9: memref<64xf32, #tpu.memory_space<vmem>>, %arg10: memref<!tpu.dma_semaphore, #tpu.memory_space<semaphore_mem>>, %arg11: memref<!tpu.dma_semaphore, #tpu.memory_space<semaphore_mem>>) attributes {dimension_semantics = [#tpu.dimension_semantics<core_parallel>, #tpu.dimension_semantics<subcore_parallel>], iteration_bounds = array<i64: 2, 16>, scalar_prefetch = 0 : i64, scratch_operands = 6 : i64, tpu.core_type = #tpu.core_type<sc_vector_subcore>, window_params = [{transform_indices = #map}, {transform_indices = #map}, {transform_indices = #map1}, {transform_indices = #map}]} {
    %mul3A = arith.constant 2 : i32
    %mul3A_0 = arith.muli %arg1, %mul3A : i32
    %add3A = arith.addi %mul3A_0, %arg0 : i32
    %scan3A = arith.constant 0 : i32
    %scan3A_1 = arith.constant 0 : i32
    %scan3A_2 = arith.constant 100 : i32
    %scan3A_3 = arith.addi %scan3A_1, %scan3A_2 : i32
    %scan3A_4 = arith.constant 1 : i32
    scf.for %scan3A_6 = %scan3A_1 to %scan3A_3 step %scan3A_4  : i32 {
      %mul3A_7 = arith.constant 100 : i32
      %mul3A_8 = arith.muli %add3A, %mul3A_7 : i32
      %add3A_9 = arith.addi %mul3A_8, %scan3A_6 : i32
      %mul3A_10 = arith.constant 128 : i32
      %mul3A_11 = arith.muli %add3A_9, %mul3A_10 : i32
      %dma_start3A = arith.constant 0 : i32
      %dma_start3A_12 = tpu.memref_slice %arg2[%mul3A_11, %dma_start3A] : memref<409600x128xf32, #tpu.memory_space<hbm>> -> memref<128x128xf32, #tpu.memory_space<hbm>>
      %dma_start3A_13 = arith.constant 0 : i32
      %dma_start3A_14 = tpu.memref_slice %arg2[%mul3A_11, %dma_start3A_13] : memref<409600x128xf32, #tpu.memory_space<hbm>> -> memref<128x128xf32, #tpu.memory_space<hbm>>
      tpu.enqueue_dma source(%dma_start3A_14 : memref<128x128xf32, #tpu.memory_space<hbm>>) target(%arg6 : memref<128x128xf32, #tpu.memory_space<vmem>>) target_semaphore(%arg10 : memref<!tpu.dma_semaphore, #tpu.memory_space<semaphore_mem>>)
      %dma_start3A_15 = arith.constant 0 : i32
      %dma_start3A_16 = tpu.memref_slice %arg3[%mul3A_11, %dma_start3A_15] : memref<409600x128xf32, #tpu.memory_space<hbm>> -> memref<128x128xf32, #tpu.memory_space<hbm>>
      %dma_start3A_17 = arith.constant 0 : i32
      %dma_start3A_18 = tpu.memref_slice %arg3[%mul3A_11, %dma_start3A_17] : memref<409600x128xf32, #tpu.memory_space<hbm>> -> memref<128x128xf32, #tpu.memory_space<hbm>>
      tpu.enqueue_dma source(%dma_start3A_18 : memref<128x128xf32, #tpu.memory_space<hbm>>) target(%arg7 : memref<128x128xf32, #tpu.memory_space<vmem>>) target_semaphore(%arg11 : memref<!tpu.dma_semaphore, #tpu.memory_space<semaphore_mem>>)
      %mul3A_19 = arith.constant 4 : i32
      %mul3A_20 = arith.muli %add3A_9, %mul3A_19 : i32
      %mul3A_21 = arith.constant 16 : i32
      %mul3A_22 = arith.muli %mul3A_20, %mul3A_21 : i32
      "tpu.region"() ({
        %run_scoped3A = tpu.sem_alloc : memref<!tpu.dma_semaphore, #tpu.memory_space<semaphore_mem>>
        %dma_start3A_65 = tpu.memref_slice %arg4[%mul3A_22] : memref<204800xf32, #tpu.memory_space<hbm>> -> memref<64xf32, #tpu.memory_space<hbm>>
        %dma_start3A_66 = tpu.memref_slice %arg4[%mul3A_22] : memref<204800xf32, #tpu.memory_space<hbm>> -> memref<64xf32, #tpu.memory_space<hbm>>
        tpu.enqueue_dma source(%dma_start3A_66 : memref<64xf32, #tpu.memory_space<hbm>>) target(%arg9 : memref<64xf32, #tpu.memory_space<vmem>>) target_semaphore(%run_scoped3A : memref<!tpu.dma_semaphore, #tpu.memory_space<semaphore_mem>>)
        %dma_wait3A_67 = tpu.memref_slice %arg4[%mul3A_22] : memref<204800xf32, #tpu.memory_space<hbm>> -> memref<64xf32, #tpu.memory_space<hbm>>
        %dma_wait3A_68 = tpu.memref_slice %arg4[%mul3A_22] : memref<204800xf32, #tpu.memory_space<hbm>> -> memref<64xf32, #tpu.memory_space<hbm>>
        tpu.wait_dma2 semaphore(%run_scoped3A : memref<!tpu.dma_semaphore, #tpu.memory_space<semaphore_mem>>) src(%dma_wait3A_68 : memref<64xf32, #tpu.memory_space<hbm>>) dst(%arg9 : memref<64xf32, #tpu.memory_space<vmem>>)
        tpu.yield
      }) : () -> ()
      %dma_wait3A = arith.constant 0 : i32
      %dma_wait3A_23 = tpu.memref_slice %arg2[%mul3A_11, %dma_wait3A] : memref<409600x128xf32, #tpu.memory_space<hbm>> -> memref<128x128xf32, #tpu.memory_space<hbm>>
      %dma_wait3A_24 = arith.constant 0 : i32
      %dma_wait3A_25 = tpu.memref_slice %arg2[%mul3A_11, %dma_wait3A_24] : memref<409600x128xf32, #tpu.memory_space<hbm>> -> memref<128x128xf32, #tpu.memory_space<hbm>>
      tpu.wait_dma2 semaphore(%arg10 : memref<!tpu.dma_semaphore, #tpu.memory_space<semaphore_mem>>) src(%dma_wait3A_25 : memref<128x128xf32, #tpu.memory_space<hbm>>) dst(%arg6 : memref<128x128xf32, #tpu.memory_space<vmem>>)
      %dma_wait3A_26 = arith.constant 0 : i32
      %dma_wait3A_27 = tpu.memref_slice %arg3[%mul3A_11, %dma_wait3A_26] : memref<409600x128xf32, #tpu.memory_space<hbm>> -> memref<128x128xf32, #tpu.memory_space<hbm>>
      %dma_wait3A_28 = arith.constant 0 : i32
      %dma_wait3A_29 = tpu.memref_slice %arg3[%mul3A_11, %dma_wait3A_28] : memref<409600x128xf32, #tpu.memory_space<hbm>> -> memref<128x128xf32, #tpu.memory_space<hbm>>
      tpu.wait_dma2 semaphore(%arg11 : memref<!tpu.dma_semaphore, #tpu.memory_space<semaphore_mem>>) src(%dma_wait3A_29 : memref<128x128xf32, #tpu.memory_space<hbm>>) dst(%arg7 : memref<128x128xf32, #tpu.memory_space<vmem>>)
      %get3A = arith.constant 0 : index
      %get3A_30 = tpu.vector_load %arg9[%get3A] {strides = array<i32>} : memref<64xf32, #tpu.memory_space<vmem>>, vector<16xf32>,
      %get3A_31 = vector.shape_cast %get3A_30 : vector<16xf32> to vector<16xf32>
      %scan3A_32 = arith.constant 0 : i32
      %scan3A_33 = arith.constant 0 : i32
      %scan3A_34 = arith.constant 32 : i32
      %scan3A_35 = arith.addi %scan3A_33, %scan3A_34 : i32
      %scan3A_36 = arith.constant 1 : i32
      scf.for %scan3A_65 = %scan3A_33 to %scan3A_35 step %scan3A_36  : i32 {
        %add3A_66 = arith.constant 0 : i32
        %add3A_67 = arith.addi %add3A_66, %scan3A_65 : i32
        %scan3A_68 = arith.constant 0 : i32
        %scan3A_69 = arith.constant 0 : i32
        %scan3A_70 = arith.constant 8 : i32
        %scan3A_71 = arith.addi %scan3A_69, %scan3A_70 : i32
        %scan3A_72 = arith.constant 1 : i32
        scf.for %scan3A_74 = %scan3A_69 to %scan3A_71 step %scan3A_72  : i32 {
          %mul3A_75 = arith.constant 16 : i32
          %mul3A_76 = arith.muli %scan3A_74, %mul3A_75 : i32
          %get3A_77 = arith.index_cast %add3A_67 : i32 to index
          %get3A_78 = arith.index_cast %mul3A_76 : i32 to index
          %get3A_79 = tpu.vector_load %arg6[%get3A_77, %get3A_78] {strides = array<i32>} : memref<128x128xf32, #tpu.memory_space<vmem>>, vector<1x16xf32>,
          %get3A_80 = vector.shape_cast %get3A_79 : vector<1x16xf32> to vector<16xf32>
          %get3A_81 = arith.index_cast %add3A_67 : i32 to index
          %get3A_82 = arith.index_cast %mul3A_76 : i32 to index
          %get3A_83 = tpu.vector_load %arg7[%get3A_81, %get3A_82] {strides = array<i32>} : memref<128x128xf32, #tpu.memory_space<vmem>>, vector<1x16xf32>,
          %get3A_84 = vector.shape_cast %get3A_83 : vector<1x16xf32> to vector<16xf32>
          %add3A_85 = arith.addf %get3A_80, %get3A_84 : vector<16xf32>
          %add3A_86 = arith.addf %add3A_85, %get3A_31 : vector<16xf32>
          %swap3A = arith.index_cast %add3A_67 : i32 to index
          %swap3A_87 = arith.index_cast %mul3A_76 : i32 to index
          %swap3A_88 = tpu.vector_load %arg8[%swap3A, %swap3A_87] {strides = array<i32>} : memref<128x128xf32, #tpu.memory_space<vmem>>, vector<1x16xf32>,
          %swap3A_89 = vector.shape_cast %swap3A_88 : vector<1x16xf32> to vector<16xf32>
          %swap3A_90 = vector.shape_cast %add3A_86 : vector<16xf32> to vector<1x16xf32>
          tpu.vector_store %arg8[%swap3A, %swap3A_87], %swap3A_90 {strides = array<i32>} : memref<128x128xf32, #tpu.memory_space<vmem>>, vector<1x16xf32>,
        }
        %scan3A_73 = arith.constant 8 : i32
      }
      %scan3A_37 = arith.constant 32 : i32
      %get3A_38 = arith.constant 16 : index
      %get3A_39 = tpu.vector_load %arg9[%get3A_38] {strides = array<i32>} : memref<64xf32, #tpu.memory_space<vmem>>, vector<16xf32>,
      %get3A_40 = vector.shape_cast %get3A_39 : vector<16xf32> to vector<16xf32>
      %scan3A_41 = arith.constant 0 : i32
      %scan3A_42 = arith.constant 0 : i32
      %scan3A_43 = arith.constant 32 : i32
      %scan3A_44 = arith.addi %scan3A_42, %scan3A_43 : i32
      %scan3A_45 = arith.constant 1 : i32
      scf.for %scan3A_65 = %scan3A_42 to %scan3A_44 step %scan3A_45  : i32 {
        %add3A_66 = arith.constant 32 : i32
        %add3A_67 = arith.addi %add3A_66, %scan3A_65 : i32
        %scan3A_68 = arith.constant 0 : i32
        %scan3A_69 = arith.constant 0 : i32
        %scan3A_70 = arith.constant 8 : i32
        %scan3A_71 = arith.addi %scan3A_69, %scan3A_70 : i32
        %scan3A_72 = arith.constant 1 : i32
        scf.for %scan3A_74 = %scan3A_69 to %scan3A_71 step %scan3A_72  : i32 {
          %mul3A_75 = arith.constant 16 : i32
          %mul3A_76 = arith.muli %scan3A_74, %mul3A_75 : i32
          %get3A_77 = arith.index_cast %add3A_67 : i32 to index
          %get3A_78 = arith.index_cast %mul3A_76 : i32 to index
          %get3A_79 = tpu.vector_load %arg6[%get3A_77, %get3A_78] {strides = array<i32>} : memref<128x128xf32, #tpu.memory_space<vmem>>, vector<1x16xf32>,
          %get3A_80 = vector.shape_cast %get3A_79 : vector<1x16xf32> to vector<16xf32>
          %get3A_81 = arith.index_cast %add3A_67 : i32 to index
          %get3A_82 = arith.index_cast %mul3A_76 : i32 to index
          %get3A_83 = tpu.vector_load %arg7[%get3A_81, %get3A_82] {strides = array<i32>} : memref<128x128xf32, #tpu.memory_space<vmem>>, vector<1x16xf32>,
          %get3A_84 = vector.shape_cast %get3A_83 : vector<1x16xf32> to vector<16xf32>
          %add3A_85 = arith.addf %get3A_80, %get3A_84 : vector<16xf32>
          %add3A_86 = arith.addf %add3A_85, %get3A_40 : vector<16xf32>
          %swap3A = arith.index_cast %add3A_67 : i32 to index
          %swap3A_87 = arith.index_cast %mul3A_76 : i32 to index
          %swap3A_88 = tpu.vector_load %arg8[%swap3A, %swap3A_87] {strides = array<i32>} : memref<128x128xf32, #tpu.memory_space<vmem>>, vector<1x16xf32>,
          %swap3A_89 = vector.shape_cast %swap3A_88 : vector<1x16xf32> to vector<16xf32>
          %swap3A_90 = vector.shape_cast %add3A_86 : vector<16xf32> to vector<1x16xf32>
          tpu.vector_store %arg8[%swap3A, %swap3A_87], %swap3A_90 {strides = array<i32>} : memref<128x128xf32, #tpu.memory_space<vmem>>, vector<1x16xf32>,
        }
        %scan3A_73 = arith.constant 8 : i32
      }
      %scan3A_46 = arith.constant 32 : i32
      %get3A_47 = arith.constant 32 : index
      %get3A_48 = tpu.vector_load %arg9[%get3A_47] {strides = array<i32>} : memref<64xf32, #tpu.memory_space<vmem>>, vector<16xf32>,
      %get3A_49 = vector.shape_cast %get3A_48 : vector<16xf32> to vector<16xf32>
      %scan3A_50 = arith.constant 0 : i32
      %scan3A_51 = arith.constant 0 : i32
      %scan3A_52 = arith.constant 32 : i32
      %scan3A_53 = arith.addi %scan3A_51, %scan3A_52 : i32
      %scan3A_54 = arith.constant 1 : i32
      scf.for %scan3A_65 = %scan3A_51 to %scan3A_53 step %scan3A_54  : i32 {
        %add3A_66 = arith.constant 64 : i32
        %add3A_67 = arith.addi %add3A_66, %scan3A_65 : i32
        %scan3A_68 = arith.constant 0 : i32
        %scan3A_69 = arith.constant 0 : i32
        %scan3A_70 = arith.constant 8 : i32
        %scan3A_71 = arith.addi %scan3A_69, %scan3A_70 : i32
        %scan3A_72 = arith.constant 1 : i32
        scf.for %scan3A_74 = %scan3A_69 to %scan3A_71 step %scan3A_72  : i32 {
          %mul3A_75 = arith.constant 16 : i32
          %mul3A_76 = arith.muli %scan3A_74, %mul3A_75 : i32
          %get3A_77 = arith.index_cast %add3A_67 : i32 to index
          %get3A_78 = arith.index_cast %mul3A_76 : i32 to index
          %get3A_79 = tpu.vector_load %arg6[%get3A_77, %get3A_78] {strides = array<i32>} : memref<128x128xf32, #tpu.memory_space<vmem>>, vector<1x16xf32>,
          %get3A_80 = vector.shape_cast %get3A_79 : vector<1x16xf32> to vector<16xf32>
          %get3A_81 = arith.index_cast %add3A_67 : i32 to index
          %get3A_82 = arith.index_cast %mul3A_76 : i32 to index
          %get3A_83 = tpu.vector_load %arg7[%get3A_81, %get3A_82] {strides = array<i32>} : memref<128x128xf32, #tpu.memory_space<vmem>>, vector<1x16xf32>,
          %get3A_84 = vector.shape_cast %get3A_83 : vector<1x16xf32> to vector<16xf32>
          %add3A_85 = arith.addf %get3A_80, %get3A_84 : vector<16xf32>
          %add3A_86 = arith.addf %add3A_85, %get3A_49 : vector<16xf32>
          %swap3A = arith.index_cast %add3A_67 : i32 to index
          %swap3A_87 = arith.index_cast %mul3A_76 : i32 to index
          %swap3A_88 = tpu.vector_load %arg8[%swap3A, %swap3A_87] {strides = array<i32>} : memref<128x128xf32, #tpu.memory_space<vmem>>, vector<1x16xf32>,
          %swap3A_89 = vector.shape_cast %swap3A_88 : vector<1x16xf32> to vector<16xf32>
          %swap3A_90 = vector.shape_cast %add3A_86 : vector<16xf32> to vector<1x16xf32>
          tpu.vector_store %arg8[%swap3A, %swap3A_87], %swap3A_90 {strides = array<i32>} : memref<128x128xf32, #tpu.memory_space<vmem>>, vector<1x16xf32>,
        }
        %scan3A_73 = arith.constant 8 : i32
      }
      %scan3A_55 = arith.constant 32 : i32
      %get3A_56 = arith.constant 48 : index
      %get3A_57 = tpu.vector_load %arg9[%get3A_56] {strides = array<i32>} : memref<64xf32, #tpu.memory_space<vmem>>, vector<16xf32>,
      %get3A_58 = vector.shape_cast %get3A_57 : vector<16xf32> to vector<16xf32>
      %scan3A_59 = arith.constant 0 : i32
      %scan3A_60 = arith.constant 0 : i32
      %scan3A_61 = arith.constant 32 : i32
      %scan3A_62 = arith.addi %scan3A_60, %scan3A_61 : i32
      %scan3A_63 = arith.constant 1 : i32
      scf.for %scan3A_65 = %scan3A_60 to %scan3A_62 step %scan3A_63  : i32 {
        %add3A_66 = arith.constant 96 : i32
        %add3A_67 = arith.addi %add3A_66, %scan3A_65 : i32
        %scan3A_68 = arith.constant 0 : i32
        %scan3A_69 = arith.constant 0 : i32
        %scan3A_70 = arith.constant 8 : i32
        %scan3A_71 = arith.addi %scan3A_69, %scan3A_70 : i32
        %scan3A_72 = arith.constant 1 : i32
        scf.for %scan3A_74 = %scan3A_69 to %scan3A_71 step %scan3A_72  : i32 {
          %mul3A_75 = arith.constant 16 : i32
          %mul3A_76 = arith.muli %scan3A_74, %mul3A_75 : i32
          %get3A_77 = arith.index_cast %add3A_67 : i32 to index
          %get3A_78 = arith.index_cast %mul3A_76 : i32 to index
          %get3A_79 = tpu.vector_load %arg6[%get3A_77, %get3A_78] {strides = array<i32>} : memref<128x128xf32, #tpu.memory_space<vmem>>, vector<1x16xf32>,
          %get3A_80 = vector.shape_cast %get3A_79 : vector<1x16xf32> to vector<16xf32>
          %get3A_81 = arith.index_cast %add3A_67 : i32 to index
          %get3A_82 = arith.index_cast %mul3A_76 : i32 to index
          %get3A_83 = tpu.vector_load %arg7[%get3A_81, %get3A_82] {strides = array<i32>} : memref<128x128xf32, #tpu.memory_space<vmem>>, vector<1x16xf32>,
          %get3A_84 = vector.shape_cast %get3A_83 : vector<1x16xf32> to vector<16xf32>
          %add3A_85 = arith.addf %get3A_80, %get3A_84 : vector<16xf32>
          %add3A_86 = arith.addf %add3A_85, %get3A_58 : vector<16xf32>
          %swap3A = arith.index_cast %add3A_67 : i32 to index
          %swap3A_87 = arith.index_cast %mul3A_76 : i32 to index
          %swap3A_88 = tpu.vector_load %arg8[%swap3A, %swap3A_87] {strides = array<i32>} : memref<128x128xf32, #tpu.memory_space<vmem>>, vector<1x16xf32>,
          %swap3A_89 = vector.shape_cast %swap3A_88 : vector<1x16xf32> to vector<16xf32>
          %swap3A_90 = vector.shape_cast %add3A_86 : vector<16xf32> to vector<1x16xf32>
          tpu.vector_store %arg8[%swap3A, %swap3A_87], %swap3A_90 {strides = array<i32>} : memref<128x128xf32, #tpu.memory_space<vmem>>, vector<1x16xf32>,
        }
        %scan3A_73 = arith.constant 8 : i32
      }
      %scan3A_64 = arith.constant 32 : i32
      "tpu.region"() ({
        %run_scoped3A = tpu.sem_alloc : memref<!tpu.dma_semaphore, #tpu.memory_space<semaphore_mem>>
        %dma_start3A_65 = arith.constant 0 : i32
        %dma_start3A_66 = tpu.memref_slice %arg5[%mul3A_11, %dma_start3A_65] : memref<409600x128xf32, #tpu.memory_space<hbm>> -> memref<128x128xf32, #tpu.memory_space<hbm>>
        %dma_start3A_67 = arith.constant 0 : i32
        %dma_start3A_68 = tpu.memref_slice %arg5[%mul3A_11, %dma_start3A_67] : memref<409600x128xf32, #tpu.memory_space<hbm>> -> memref<128x128xf32, #tpu.memory_space<hbm>>
        tpu.enqueue_dma source(%arg8 : memref<128x128xf32, #tpu.memory_space<vmem>>) target(%dma_start3A_68 : memref<128x128xf32, #tpu.memory_space<hbm>>) target_semaphore(%run_scoped3A : memref<!tpu.dma_semaphore, #tpu.memory_space<semaphore_mem>>)
        %dma_wait3A_69 = arith.constant 0 : i32
        %dma_wait3A_70 = tpu.memref_slice %arg5[%mul3A_11, %dma_wait3A_69] : memref<409600x128xf32, #tpu.memory_space<hbm>> -> memref<128x128xf32, #tpu.memory_space<hbm>>
        %dma_wait3A_71 = arith.constant 0 : i32
        %dma_wait3A_72 = tpu.memref_slice %arg5[%mul3A_11, %dma_wait3A_71] : memref<409600x128xf32, #tpu.memory_space<hbm>> -> memref<128x128xf32, #tpu.memory_space<hbm>>
        tpu.wait_dma2 semaphore(%run_scoped3A : memref<!tpu.dma_semaphore, #tpu.memory_space<semaphore_mem>>) src(%arg8 : memref<128x128xf32, #tpu.memory_space<vmem>>) dst(%dma_wait3A_72 : memref<128x128xf32, #tpu.memory_space<hbm>>)
        tpu.yield
      }) : () -> ()
    }
    %scan3A_5 = arith.constant 100 : i32
    return
  }
}

</mosaic_0001>

<sc_bundles>
// kernel: kernel.3.cloned.1.call-start
scs
__scs_entry_jumppad:
0x0: {  	(pc) =	sbr.rel $0x88, $3  }
0x1: {  	(tag) =	ssettag $0x0;
	lr =	simm.s32 $0x1  }
0x2: {  	[smem:$0x3F9E] =	sst lr;
	_ =	strace $0xD0000000  }
0x3: {  	_ = 	snop  }
0x4: {  	_ = 	snop  }
0x5: {  	_ = 	snop  }
0x6: {  	_ = 	snop  }
0x7: {  	_ = 	snop  }
__scs_overlays_trampoline_lowered:
0x8: {  	[smem:$0x3FAD] =	sst s0  }
0x9: {  	[smem:$0x3FAE] =	sst s1  }
0xa: {  	[smem:$0x3FAF] =	sst s2  }
0xb: {  	[smem:$0x3FB0] =	sst s3  }
0xc: {  	[smem:$0x3FB1] =	sst s4  }
0xd: {  	[smem:$0x3FB2] =	sst s5  }
0xe: {  	[smem:$0x3FB3] =	sst s6  }
0xf: {  	[smem:$0x3FB4] =	sst s7  }
0x10: {  	[smem:$0x3FB5] =	sst s8  }
0x11: {  	[smem:$0x3FB6] =	sst s9;
	s0 =	simm.s32 @!p0 $0x0  }
0x12: {  	s1 =	sld [smem:$0x3F9C];
	s0 =	simm.s32 @p0 $0x1  }
0x13: {  	[smem:$0x3FB7] =	sst s0;
	s0 =	simm.s32 @!p1 $0x0  }
0x14: {  	s2 =	sld [smem:$0x3F9B];
	s0 =	simm.s32 @p1 $0x1  }
0x15: {  	[smem:$0x3FB8] =	sst s0;
	s0 =	simm.s32 @!p2 $0x0  }
0x16: {  	s3 =	sld [smem:$0x3FDB];
	s0 =	simm.s32 @p2 $0x1  }
0x17: {  	s4 =	simm.s32 $0x1BF5;
	[smem:$0x3FBA] =	sst s0  }
0x18: {  	s0 =	sld [smem:$0x3F9D];
	_ =	swait.ge [sflag:s4], $0x0  }
0x19: {  	s7 =	sld [smem:$0x3F9E]  }
0x1a: {  	s8 =	sadd.s32 $0xFFFFE003, lr  }
0x1b: {  	s9 =	sadd.s32 $0xFFFFFEF7, lr;
	s5 =	simm.s32 $0xFFFFFFFF;
	p2 =	slt.u32 s8, $0xFFFFF086  }
0x1c: {  	p1 =	slt.u32 s9, $0xF7A;
	s5 =	simm.s32 @!p2 $0x0  }
0x1d: {  	s5 =	simm.s32 @p1 $0x1;
	p0 =	seq.s32 s7, s2  }
0x1e: {  	s7 =	smul.u32 @!p0 $0xF7A, s2;
	p2 =	seq.s32 @!p0 s5, $0x0  }
0x1f: {  	s9 =	smul.u32 $0xF7A, s1;
	s8 =	simm.s32 @!p0 $0x1BF5;
	p2 =	por !p2, p0  }
0x20: {  	[sflag:s8] =	ssyncset.s32 @!p0 $0xFFFFF086;
	s6 =	sadd.s32 @!p0 s3, s7;
	s7 =	simm.s32 @!p0 $0x108  }
0x21: {  	s3 =	sadd.s32 s3, s9;
	s6 =	sadd.s32 @!p0 $0x88, s6;
	s7 =	simm.s32 @p2 $0x1082  }
0x22: {  	[simem:s7], [sflag:s8] =	dma.local @!p0 [hbm:s6], $0xF7A  }
0x23: {  	s9 =	sor.u32 $0xD0000000, s2;
	s6 =	simm.s32 $0x108;
	_ =	swait.ge @!p0 [sflag:s8], $0x0  }
0x24: {  	s3 =	sadd.s32 $0x88, s3;
	s6 =	simm.s32 @!p1 $0x1082;
	[sflag:s4] =	ssyncset.s32 $0xFFFFF086  }
0x25: {  	[simem:s6], [sflag:s4] =	dma.local [hbm:s3], $0xF7A  }
0x26: {  	[smem:$0x3F9E] =	sst s1;
	(tag) =	ssettag s2;
	_ =	strace s9  }
0x27: {  	s1 =	sld [smem:$0x3FAE]  }
0x28: {  	s2 =	sld [smem:$0x3FAF]  }
0x29: {  	s4 =	sld [smem:$0x3FB1]  }
0x2a: {  	p0 =	seq.s32 s5, $0x0;
	s5 =	sld [smem:$0x3FB2]  }
0x2b: {  	s6 =	sld [smem:$0x3FB3]  }
0x2c: {  	s7 =	sld [smem:$0x3FB4]  }
0x2d: {  	s3 =	simm.s32 $0x108;
	s8 =	sld [smem:$0x3FB5]  }
0x2e: {  	s3 =	simm.s32 @!p0 $0x1082;
	s9 =	sld [smem:$0x3FB6]  }
0x2f: {  	lr =	sadd.s32 s0, s3;
	s0 =	sld [smem:$0x3FAD]  }
0x30: {  	s3 =	sld [smem:$0x3FB0]  }
0x31: {  	[smem:$0x3FB9] =	sst s10  }
0x32: {  	s10 =	sld [smem:$0x3FB7];
	_ =	sdelay $0x3  }
0x33: {  	p0 =	seq.s32 s10, $0x1;
	s10 =	sld [smem:$0x3FB9];
	_ =	sdelay $0x3  }
0x34: {  	[smem:$0x3FB9] =	sst s10  }
0x35: {  	s10 =	sld [smem:$0x3FB8];
	_ =	sdelay $0x3  }
0x36: {  	p1 =	seq.s32 s10, $0x1;
	s10 =	sld [smem:$0x3FB9];
	_ =	sdelay $0x3  }
0x37: {  	[smem:$0x3FB9] =	sst s10  }
0x38: {  	s10 =	sld [smem:$0x3FBA]  }
0x39: {  	_ = 	snop;
	(pc) =	sbr.ind lr, $3  }
0x3a: {  	_ = 	snop  }
0x3b: {  	_ = 	snop  }
0x3c: {  	p2 =	seq.s32 s10, $0x1;
	s10 =	sld [smem:$0x3FB9]  }
0x3d: {  	_ =	shalt  }
0x3e: {  	_ =	shalt  }
0x3f: {  	_ =	shalt  }
0x40: {  	_ =	shalt  }
0x41: {  	_ =	shalt  }
0x42: {  	_ =	shalt  }
0x43: {  	_ =	shalt  }
0x44: {  	_ =	shalt  }
0x45: {  	_ =	shalt  }
0x46: {  	_ =	shalt  }
0x47: {  	_ =	shalt  }
0x48: {  	_ =	shalt  }
0x49: {  	_ =	shalt  }
0x4a: {  	_ =	shalt  }
0x4b: {  	_ =	shalt  }
0x4c: {  	_ =	shalt  }
0x4d: {  	_ =	shalt  }
0x4e: {  	_ =	shalt  }
0x4f: {  	_ =	shalt  }
0x50: {  	_ =	shalt  }
0x51: {  	_ =	shalt  }
0x52: {  	_ =	shalt  }
0x53: {  	_ =	shalt  }
0x54: {  	_ =	shalt  }
0x55: {  	_ =	shalt  }
0x56: {  	_ =	shalt  }
0x57: {  	_ =	shalt  }
0x58: {  	_ =	shalt  }
0x59: {  	_ =	shalt  }
0x5a: {  	_ =	shalt  }
0x5b: {  	_ =	shalt  }
0x5c: {  	_ =	shalt  }
0x5d: {  	_ =	shalt  }
0x5e: {  	_ =	shalt  }
0x5f: {  	_ =	shalt  }
0x60: {  	_ =	shalt  }
0x61: {  	_ =	shalt  }
0x62: {  	_ =	shalt  }
0x63: {  	_ =	shalt  }
0x64: {  	_ =	shalt  }
0x65: {  	_ =	shalt  }
0x66: {  	_ =	shalt  }
0x67: {  	_ =	shalt  }
0x68: {  	_ =	shalt  }
0x69: {  	_ =	shalt  }
0x6a: {  	_ =	shalt  }
0x6b: {  	_ =	shalt  }
0x6c: {  	_ =	shalt  }
0x6d: {  	_ =	shalt  }
0x6e: {  	_ =	shalt  }
0x6f: {  	_ =	shalt  }
0x70: {  	_ =	shalt  }
0x71: {  	_ =	shalt  }
0x72: {  	_ =	shalt  }
0x73: {  	_ =	shalt  }
0x74: {  	_ =	shalt  }
0x75: {  	_ =	shalt  }
0x76: {  	_ =	shalt  }
0x77: {  	_ =	shalt  }
0x78: {  	_ =	shalt  }
0x79: {  	_ =	shalt  }
0x7a: {  	_ =	shalt  }
0x7b: {  	_ =	shalt  }
0x7c: {  	_ =	shalt  }
0x7d: {  	_ =	shalt  }
0x7e: {  	_ =	shalt  }
0x7f: {  	_ =	shalt  }
0x80: {  	_ =	shalt  }
0x81: {  	_ =	shalt  }
0x82: {  	_ =	shalt  }
0x83: {  	_ =	shalt  }
0x84: {  	_ =	shalt  }
0x85: {  	_ =	shalt  }
0x86: {  	_ =	shalt  }
0x87: {  	_ =	shalt  }
.Lfunc_end0:
.L_simem_size_0:
called_computation_lowered:
.L_overlay_start_0:
0x88: {  	s2 =	sld [smem:$0x3FD9]  }
0x89: {  	s3 =	sld [smem:$0x3FFE];
	_ =	sdelay $0x1  }
0x8a: {  	s1 =	srdreg.scid  }
0x8b: {  	s0 =	sand.u32 $0x1, s1  }
0x8c: {  	s17 =	sshll.u32 s0, $0xA;
	s2 =	sadd.s32 s3, s2  }
0x8d: {  	s2 =	sadd.s32 s2, s17  }
0x8e: {  	[smem:$0x3FC5] =	sst s2  }
0x8f: {  	_ = 	snop  }
0x90: {  	s2 =	sld [smem:$0x3FD0];
	(tm) =	ssettm $0x1  }
0x91: {  	s18 =	sld [smem:$0x3FFB];
	_ =	sdelay $0x3  }
0x92: {  	_ =	strace s18  }
0x93: {  	s3 =	sld [smem:$0x3FFC];
	_ =	sdelay $0x3  }
0x94: {  	_ =	strace s3  }
0x95: {  	s3 =	sld [smem:$0x3FFD];
	_ =	sdelay $0x3  }
0x96: {  	_ =	strace s3  }
0x97: {  	_ =	strace $0x8FFFFFFF  }
0x98: {  	s19 =	sld [smem:$0x3FDB];
	_ =	sdelay $0x1  }
0x99: {  	s4 =	simm.s32 $_scs_section_size  }
0x9a: {  	s5 =	simm.s32 $_size__tile_overlayer_lowered;
	s6 =	simm.s32 $_tile_overlayer_lowered  }
0x9b: {  	s22 =	simm.s32 $0x1BFF;
	s21 =	sshll.u32 s6, $0x1;
	s3 =	sadd.s32 s4, s19  }
0x9c: {  	s7 =	simm.s32 $0x0;
	s20 =	sshll.u32 s5, $0x1;
	s5 =	sadd.s32 s21, s3  }
0x9d: {  	[timem:s7], [sflag:s22] =	dma.local [hbm:s5], s20  }
0x9e: {  	_ =	swait.ge [sflag:s22], s20  }
0x9f: {  	s4 =	ssub.s32 $0x0, s20;
	[sflag:s22] =	ssyncset.done $0x0  }
0xa0: {  	[sflag:s22] =	ssyncadd.s32 s4;
	_ =	sdelay $0x1  }
0xa1: {  	s23 =	simm.s32 $0x1B8B  }
0xa2: {  	_ =	swait.ge [sflag:s23], $0x1  }
0xa3: {  	[sflag:s23] =	ssyncset.done $0x0  }
0xa4: {  	s25 =	simm.s32 $0x1B8E;
	s24 =	sld [smem:$0x3FFE];
	[sflag:s23] =	ssyncadd.s32 $0xFFFFFFFF  }
0xa5: {  	s26 =	simm.s32 $execute0_lowered;
	[smem:$0x3FD2] =	sst s25  }
0xa6: {  	s5 =	sshll.u32 s26, $0x1;
	_ =	strace $0x80000046;
	[dreg:$0x1] =	wrdreg $0xFFFFFFFF  }
0xa7: {  	s28 =	simm.s32 $_size_execute0_lowered;
	s3 =	sadd.s32 s3, s5;
	[dreg:$0x0] =	wrdreg $0x0  }
0xa8: {  	s5 =	sshll.u32 s28, $0x1;
	[dreg:$0x2] =	wrdreg s3  }
0xa9: {  	[dreg:$0x3] =	wrdreg s5  }
0xaa: {  	[dreg:$0x4] =	wrdreg $0xC0  }
0xab: {  	_ =	task [dreg:s7], $0x5FFFF  }
0xac: {  	[dreg:$0x1] =	wrdreg $0xFFFFFFFF  }
0xad: {  	[dreg:$0x0] =	wrdreg $0x60  }
0xae: {  	[dreg:$0x2] =	wrdreg s2  }
0xaf: {  	[dreg:$0x3] =	wrdreg s24  }
0xb0: {  	[dreg:$0x4] =	wrdreg $0x9  }
0xb1: {  	_ =	task.clear_ibuf [dreg:s7], $0x5FFFF;
	_ =	strace $0x90000046  }
0xb2: {  	s29 =	simm.s32 $0x9;
	_ =	strace $0x80000048  }
0xb3: {  	_ =	swait.ge [sflag:s29], $0x1  }
0xb4: {  	[sflag:s29] =	ssyncadd.s32 $0xFFFFFFFF  }
0xb5: {  	_ =	strace $0x90000048  }
0xb6: {  	_ =	sfence  }
0xb7: {  	s30 =	sld [smem:$0x0];
	_ =	sdelay $0x2  }
0xb8: {  	s31 =	sshll.u32 s1, $0xD;
	s1 =	sshrl.u32 s1, $0x2  }
0xb9: {  	s3 =	sand.u32 $0x4000, s31;
	s1 =	sadd.s32 s1, s30  }
0xba: {  	s0 =	sor.u32 s3, s0;
	s1 =	sshll.u32 s1, $0x11  }
0xbb: {  	s0 =	sor.u32 s1, s0  }
0xbc: {  	s0 =	sadd.s32 $0x8F2B, s0  }
0xbd: {  	[sflag:s0] =	ssyncadd.remote.s32 $0x1  }
0xbe: {  	_ =	sfence.sel $0xFFFF  }
0xbf: {  	[dreg:$0x0] =	wrdreg $0xFFFFFFFF;
	(pc) =	sbr.abs _section_cstart, $3  }
0xc0: {  	[dreg:$0x1] =	wrdreg $0xFFFFFFFF  }
0xc1: {  	_ =	task.clear_ibuf [dreg:s7], $0x2FFFF;
	_ =	strace $0x9FFFFFFF  }
0xc2: {  	(tm) =	ssettm $0x7FFFFFFF  }
0xc3: {  	_ =	shalt  }
tec
execute0_lowered:
.L_overlay_start_1:
0x0: {  	(tag) =	ssettag $0x1  }
0x1: {  	s1 =	rddreg [dreg:$0x0]  }
0x2: {  	s6 =	rddreg [dreg:$0x1]  }
0x3: {  	s0 =	rddreg [dreg:$0x2];
	s2 =	simm.s32 $0x0;
	s3 =	srdreg.scid  }
0x4: {  	s11 =	simm.s32 $0x3;
	s12 =	simm.s32 $0x1;
	s13 =	simm.s32 $0x2  }
0x5: {  	s14 =	simm.s32 $0x8000;
	s15 =	simm.s32 $0x0;
	[smem:$0x7FF] =	sst s2  }
0x6: {  	s7 =	sand.u32 $0x1, s3;
	s4 =	sadd.s32 $0x6800, s6;
	s3 =	stileid.u32  }
0x7: {  	s5 =	sadd.s32 $0x400, s6;
	s6 =	sadd.s32 $0x646800, s6;
	s8 =	ssub.s32 $0x2, s7  }
0x8: {  	_ =	strace $0x80000047;
	s10 =	sshll.u32 s3, $0x1;
	s9 =	sshrl.u32 s8, $0x1  }
0x9: {  	s7 =	sor.u32 s7, s10;
	s10 =	simm.s32 $0xC000;
	s8 =	ssub.s32 s8, s9  }
0xa: {  	s7 =	smul.u32 $0x64, s7;
	s9 =	simm.s32 $0x4000;
	s8 =	smax.u32 s8, $0x1  }
.LBB2_1:
0xb: {  	s16 =	simm.s32 $0x0  }
.LBB2_2:
0xc: {  	s18 =	sadd.s32 s7, s16  }
0xd: {  	s17 =	sshll.u32 s18, $0xB  }
0xe: {  	s20 =	simm.s32 $0x0;
	s19 =	sadd.s32 s1, s17  }
0xf: {  	[tilespmem:s20], [sflag:$0x1] =	stream.linear.gather [hbm4b:s19+s20], $0x4000, $0x38;
	[tilespmem:$0xC080] =	vst v63  }
0x10: {  	s18 =	sshll.u32 s18, $0x3;
	s31 =	sadd.s32 s4, s17  }
0x11: {  	[tilespmem:s9], [sflag:$0x2] =	stream.linear.gather [hbm4b:s31+s20], $0x4000, $0x38;
	[tilespmem:$0xC080] =	vst v63  }
0x12: {  	s18 =	sadd.s32 s5, s18  }
0x13: {  	[tilespmem:s10], [sflag:$0x3] =	stream.linear.gather [hbm4b:s18+s20], $0x40, $0x38;
	[tilespmem:$0xC080] =	vst v63  }
0x14: {  	_ =	swait.ge [sflag:s11], $0x40  }
0x15: {  	[sflag:s11] =	ssyncset.done $0x0  }
0x16: {  	[sflag:s11] =	ssyncadd.s32 $0xFFFFFFC0  }
0x17: {  	_ =	swait.ge [sflag:s12], $0x4000  }
0x18: {  	[sflag:s12] =	ssyncset.done $0x0  }
0x19: {  	[sflag:s12] =	ssyncadd.s32 $0xFFFFC000  }
0x1a: {  	_ =	swait.ge [sflag:s13], $0x4000  }
0x1b: {  	[sflag:s13] =	ssyncset.done $0x0  }
0x1c: {  	[sflag:s13] =	ssyncadd.s32 $0xFFFFC000  }
0x1d: {  	s18 =	simm.s32 $0x0;
	v0 =	vld [tilespmem:$0xC000]  }
0x1e: {  	v1 =	vld [tilespmem:s18+$0x70]  }
0x1f: {  	v2 =	vld [tilespmem:s18+$0x4070]  }
0x20: {  	v3 =	vld [tilespmem:s18+$0x0]  }
0x21: {  	v4 =	vld [tilespmem:s18+$0x4000]  }
0x22: {  	v5 =	vld [tilespmem:s18+$0x10]  }
0x23: {  	v6 =	vld [tilespmem:s18+$0x4010]  }
0x24: {  	v7 =	vld [tilespmem:s18+$0x20]  }
0x25: {  	v1 =	vadd.f32 v2, v1;
	v2 =	vld [tilespmem:s18+$0x4020]  }
0x26: {  	v8 =	vld [tilespmem:s18+$0x30]  }
0x27: {  	v9 =	vld [tilespmem:s18+$0x4030];
	v3 =	vadd.f32 v4, v3;
	v1 =	vadd.f32 v1, v0  }
0x28: {  	v10 =	vld [tilespmem:s18+$0x40]  }
0x29: {  	v11 =	vld [tilespmem:s18+$0x4040];
	v3 =	vadd.f32 v3, v0;
	[tilespmem:s18+$0x8070] =	vst v1;
	v1 =	vadd.f32 v6, v5  }
0x2a: {  	v4 =	vld [tilespmem:s18+$0x4050];
	v2 =	vadd.f32 v2, v7  }
0x2b: {  	[tilespmem:s18+$0x8000] =	vst v3;
	v3 =	vld [tilespmem:s18+$0x50];
	v1 =	vadd.f32 v1, v0  }
0x2c: {  	v5 =	vld [tilespmem:s18+$0x4060];
	v7 =	vadd.f32 v9, v8;
	v6 =	vadd.f32 v2, v0  }
0x2d: {  	s19 =	simm.s32 $0x80;
	[tilespmem:s18+$0x8010] =	vst v1;
	v1 =	vld [tilespmem:s18+$0x60]  }
0x2e: {  	s20 =	simm.s32 $0x400;
	v2 =	vld [tilespmem:s19+$0x70];
	[tilespmem:s18+$0x8020] =	vst v6;
	v6 =	vadd.f32 v7, v0;
	v7 =	vadd.f32 v11, v10  }
.LBB2_3:
0x2f: {  	p0 =	sne.s32 s20, $0x3E00;
	v8 =	vld [tilespmem:s19+$0x4070]  }
0x30: {  	v9 =	vld [tilespmem:s19+$0x0];
	[tilespmem:s18+$0x8030] =	vst v6;
	v6 =	vadd.f32 v7, v0;
	v3 =	vadd.f32 v4, v3  }
0x31: {  	v4 =	vld [tilespmem:s19+$0x4000]  }
0x32: {  	v7 =	vld [tilespmem:s19+$0x10];
	[tilespmem:s18+$0x8040] =	vst v6;
	v3 =	vadd.f32 v3, v0;
	v1 =	vadd.f32 v5, v1  }
0x33: {  	v5 =	vld [tilespmem:s19+$0x4010]  }
0x34: {  	v6 =	vld [tilespmem:s19+$0x20];
	v2 =	vadd.f32 v8, v2;
	[tilespmem:s18+$0x8050] =	vst v3;
	v1 =	vadd.f32 v1, v0  }
0x35: {  	v3 =	vld [tilespmem:s19+$0x4020]  }
0x36: {  	v4 =	vadd.f32 v4, v9;
	v8 =	vld [tilespmem:s19+$0x30];
	v2 =	vadd.f32 v2, v0;
	[tilespmem:s18+$0x8060] =	vst v1;
	s18 =	smov.u32 s19  }
0x37: {  	v1 =	vld [tilespmem:s18+$0x4030]  }
0x38: {  	v4 =	vadd.f32 v4, v0;
	v5 =	vadd.f32 v5, v7;
	v7 =	vld [tilespmem:s18+$0x40];
	[tilespmem:s18+$0x8070] =	vst v2  }
0x39: {  	v9 =	vld [tilespmem:s18+$0x4040]  }
.Ltmp0:
0x3a: {  	[tilespmem:s18+$0x8000] =	vst v4;
	v2 =	vadd.f32 v5, v0;
	v5 =	vadd.f32 v3, v6;
	v3 =	vld [tilespmem:s18+$0x50];
	(pc) =	sbr.rel @p0 .LBB2_3-.Ltmp0, $4  }
0x3b: {  	v4 =	vld [tilespmem:s18+$0x4050]  }
0x3c: {  	[tilespmem:s18+$0x8010] =	vst v2;
	v6 =	vadd.f32 v5, v0;
	v8 =	vadd.f32 v1, v8;
	v1 =	vld [tilespmem:s18+$0x60]  }
0x3d: {  	s19 =	sshra.s32 s20, $0x2;
	v5 =	vld [tilespmem:s18+$0x4060]  }
0x3e: {  	s20 =	sadd.s32 $0x200, s20;
	v2 =	vld [tilespmem:s19+$0x70];
	[tilespmem:s18+$0x8020] =	vst v6;
	v6 =	vadd.f32 v8, v0;
	v7 =	vadd.f32 v9, v7  }
0x3f: {  	v8 =	vld [tilespmem:s19+$0x4070]  }
0x40: {  	v9 =	vld [tilespmem:s19+$0x0];
	[tilespmem:s18+$0x8030] =	vst v6;
	v6 =	vadd.f32 v7, v0;
	v3 =	vadd.f32 v4, v3  }
0x41: {  	v7 =	vld [tilespmem:s19+$0x4000]  }
0x42: {  	v4 =	vld [tilespmem:s19+$0x10];
	[tilespmem:s18+$0x8040] =	vst v6;
	v3 =	vadd.f32 v3, v0;
	v1 =	vadd.f32 v5, v1  }
0x43: {  	v6 =	vld [tilespmem:s19+$0x4010]  }
0x44: {  	v5 =	vld [tilespmem:s19+$0x20];
	[tilespmem:s18+$0x8050] =	vst v3;
	v1 =	vadd.f32 v1, v0  }
0x45: {  	v2 =	vadd.f32 v8, v2;
	v3 =	vld [tilespmem:s19+$0x4020]  }
0x46: {  	v8 =	vld [tilespmem:s19+$0x30];
	[tilespmem:s18+$0x8060] =	vst v1  }
0x47: {  	v1 =	vadd.f32 v7, v9;
	v2 =	vadd.f32 v2, v0;
	v7 =	vld [tilespmem:s19+$0x4030]  }
0x48: {  	v61 =	vld [tilespmem:s19+$0x40]  }
0x49: {  	v10 =	vld [tilespmem:s19+$0x4060];
	v1 =	vadd.f32 v1, v0;
	[tilespmem:s19+$0x8070] =	vst v2;
	v2 =	vadd.f32 v6, v4  }
0x4a: {  	v4 =	vld [tilespmem:s19+$0x4040]  }
0x4b: {  	v6 =	vld [tilespmem:s19+$0x4050];
	[tilespmem:s19+$0x8000] =	vst v1;
	v1 =	vadd.f32 v2, v0  }
0x4c: {  	v2 =	vld [tilespmem:s19+$0x50]  }
0x4d: {  	[tilespmem:s19+$0x8010] =	vst v1;
	v1 =	vld [tilespmem:s19+$0x60]  }
0x4e: {  	v3 =	vadd.f32 v3, v5  }
0x4f: {  	v5 =	vadd.f32 v7, v8  }
0x50: {  	v3 =	vadd.f32 v3, v0;
	v4 =	vadd.f32 v4, v61  }
0x51: {  	v5 =	vadd.f32 v5, v0;
	v2 =	vadd.f32 v6, v2  }
0x52: {  	[tilespmem:s19+$0x8020] =	vst v3;
	v3 =	vadd.f32 v4, v0;
	v1 =	vadd.f32 v10, v1  }
0x53: {  	[tilespmem:s19+$0x8030] =	vst v5;
	v2 =	vadd.f32 v2, v0  }
0x54: {  	[tilespmem:s19+$0x8040] =	vst v3;
	v0 =	vadd.f32 v1, v0  }
0x55: {  	[tilespmem:s19+$0x8050] =	vst v2  }
0x56: {  	[tilespmem:s19+$0x8060] =	vst v0  }
0x57: {  	s18 =	simm.s32 $0x0;
	v0 =	vld [tilespmem:$0xC010]  }
0x58: {  	v1 =	vld [tilespmem:s18+$0x1070]  }
0x59: {  	v2 =	vld [tilespmem:s18+$0x5070]  }
0x5a: {  	v3 =	vld [tilespmem:s18+$0x1000]  }
0x5b: {  	v4 =	vld [tilespmem:s18+$0x5000]  }
0x5c: {  	v5 =	vld [tilespmem:s18+$0x1010]  }
0x5d: {  	v6 =	vld [tilespmem:s18+$0x5010]  }
0x5e: {  	v7 =	vld [tilespmem:s18+$0x1020]  }
0x5f: {  	v1 =	vadd.f32 v2, v1;
	v2 =	vld [tilespmem:s18+$0x5020]  }
0x60: {  	v8 =	vld [tilespmem:s18+$0x1030]  }
0x61: {  	v62 =	vld [tilespmem:s18+$0x5030];
	v3 =	vadd.f32 v4, v3;
	v1 =	vadd.f32 v1, v0  }
0x62: {  	v63 =	vld [tilespmem:s18+$0x1040]  }
0x63: {  	v11 =	vld [tilespmem:s18+$0x5040];
	v3 =	vadd.f32 v3, v0;
	[tilespmem:s18+$0x9070] =	vst v1;
	v1 =	vadd.f32 v6, v5  }
0x64: {  	v4 =	vld [tilespmem:s18+$0x5050];
	v2 =	vadd.f32 v2, v7  }
0x65: {  	[tilespmem:s18+$0x9000] =	vst v3;
	v3 =	vld [tilespmem:s18+$0x1050];
	v1 =	vadd.f32 v1, v0  }
0x66: {  	v5 =	vld [tilespmem:s18+$0x5060];
	v7 =	vadd.f32 v62, v8;
	v6 =	vadd.f32 v2, v0  }
0x67: {  	s19 =	simm.s32 $0x80;
	[tilespmem:s18+$0x9010] =	vst v1;
	v1 =	vld [tilespmem:s18+$0x1060]  }
0x68: {  	s20 =	simm.s32 $0x400;
	v2 =	vld [tilespmem:s19+$0x1070];
	[tilespmem:s18+$0x9020] =	vst v6;
	v6 =	vadd.f32 v7, v0;
	v7 =	vadd.f32 v11, v63  }
.LBB2_5:
0x69: {  	p0 =	sne.s32 s20, $0x3E00;
	v8 =	vld [tilespmem:s19+$0x5070]  }
0x6a: {  	v9 =	vld [tilespmem:s19+$0x1000];
	[tilespmem:s18+$0x9030] =	vst v6;
	v6 =	vadd.f32 v7, v0;
	v3 =	vadd.f32 v4, v3  }
0x6b: {  	v4 =	vld [tilespmem:s19+$0x5000]  }
0x6c: {  	v7 =	vld [tilespmem:s19+$0x1010];
	[tilespmem:s18+$0x9040] =	vst v6;
	v3 =	vadd.f32 v3, v0;
	v1 =	vadd.f32 v5, v1  }
0x6d: {  	v5 =	vld [tilespmem:s19+$0x5010]  }
0x6e: {  	v6 =	vld [tilespmem:s19+$0x1020];
	v2 =	vadd.f32 v8, v2;
	[tilespmem:s18+$0x9050] =	vst v3;
	v1 =	vadd.f32 v1, v0  }
0x6f: {  	v3 =	vld [tilespmem:s19+$0x5020]  }
0x70: {  	v4 =	vadd.f32 v4, v9;
	v8 =	vld [tilespmem:s19+$0x1030];
	v2 =	vadd.f32 v2, v0;
	[tilespmem:s18+$0x9060] =	vst v1;
	s18 =	smov.u32 s19  }
0x71: {  	v1 =	vld [tilespmem:s18+$0x5030]  }
0x72: {  	v4 =	vadd.f32 v4, v0;
	v5 =	vadd.f32 v5, v7;
	v7 =	vld [tilespmem:s18+$0x1040];
	[tilespmem:s18+$0x9070] =	vst v2  }
0x73: {  	v9 =	vld [tilespmem:s18+$0x5040]  }
.Ltmp1:
0x74: {  	[tilespmem:s18+$0x9000] =	vst v4;
	v2 =	vadd.f32 v5, v0;
	v5 =	vadd.f32 v3, v6;
	v3 =	vld [tilespmem:s18+$0x1050];
	(pc) =	sbr.rel @p0 .LBB2_5-.Ltmp1, $4  }
0x75: {  	v4 =	vld [tilespmem:s18+$0x5050]  }
0x76: {  	[tilespmem:s18+$0x9010] =	vst v2;
	v6 =	vadd.f32 v5, v0;
	v8 =	vadd.f32 v1, v8;
	v1 =	vld [tilespmem:s18+$0x1060]  }
0x77: {  	s19 =	sshra.s32 s20, $0x2;
	v5 =	vld [tilespmem:s18+$0x5060]  }
0x78: {  	s20 =	sadd.s32 $0x200, s20;
	v2 =	vld [tilespmem:s19+$0x1070];
	[tilespmem:s18+$0x9020] =	vst v6;
	v6 =	vadd.f32 v8, v0;
	v7 =	vadd.f32 v9, v7  }
0x79: {  	v8 =	vld [tilespmem:s19+$0x5070]  }
0x7a: {  	v9 =	vld [tilespmem:s19+$0x1000];
	[tilespmem:s18+$0x9030] =	vst v6;
	v6 =	vadd.f32 v7, v0;
	v3 =	vadd.f32 v4, v3  }
0x7b: {  	v7 =	vld [tilespmem:s19+$0x5000]  }
0x7c: {  	v4 =	vld [tilespmem:s19+$0x1010];
	[tilespmem:s18+$0x9040] =	vst v6;
	v3 =	vadd.f32 v3, v0;
	v1 =	vadd.f32 v5, v1  }
0x7d: {  	v6 =	vld [tilespmem:s19+$0x5010]  }
0x7e: {  	v5 =	vld [tilespmem:s19+$0x1020];
	[tilespmem:s18+$0x9050] =	vst v3;
	v1 =	vadd.f32 v1, v0  }
0x7f: {  	v2 =	vadd.f32 v8, v2;
	v3 =	vld [tilespmem:s19+$0x5020]  }
0x80: {  	v8 =	vld [tilespmem:s19+$0x1030];
	[tilespmem:s18+$0x9060] =	vst v1  }
0x81: {  	v1 =	vadd.f32 v7, v9;
	v2 =	vadd.f32 v2, v0;
	v7 =	vld [tilespmem:s19+$0x5030]  }
0x82: {  	v61 =	vld [tilespmem:s19+$0x1040]  }
0x83: {  	v10 =	vld [tilespmem:s19+$0x5060];
	v1 =	vadd.f32 v1, v0;
	[tilespmem:s19+$0x9070] =	vst v2;
	v2 =	vadd.f32 v6, v4  }
0x84: {  	v4 =	vld [tilespmem:s19+$0x5040]  }
0x85: {  	v6 =	vld [tilespmem:s19+$0x5050];
	[tilespmem:s19+$0x9000] =	vst v1;
	v1 =	vadd.f32 v2, v0  }
0x86: {  	v2 =	vld [tilespmem:s19+$0x1050]  }
0x87: {  	[tilespmem:s19+$0x9010] =	vst v1;
	v1 =	vld [tilespmem:s19+$0x1060]  }
0x88: {  	v3 =	vadd.f32 v3, v5  }
0x89: {  	v5 =	vadd.f32 v7, v8  }
0x8a: {  	v3 =	vadd.f32 v3, v0;
	v4 =	vadd.f32 v4, v61  }
0x8b: {  	v5 =	vadd.f32 v5, v0;
	v2 =	vadd.f32 v6, v2  }
0x8c: {  	[tilespmem:s19+$0x9020] =	vst v3;
	v3 =	vadd.f32 v4, v0;
	v1 =	vadd.f32 v10, v1  }
0x8d: {  	[tilespmem:s19+$0x9030] =	vst v5;
	v2 =	vadd.f32 v2, v0  }
0x8e: {  	[tilespmem:s19+$0x9040] =	vst v3;
	v0 =	vadd.f32 v1, v0  }
0x8f: {  	[tilespmem:s19+$0x9050] =	vst v2  }
0x90: {  	[tilespmem:s19+$0x9060] =	vst v0  }
0x91: {  	s18 =	simm.s32 $0x0;
	v0 =	vld [tilespmem:$0xC020]  }
0x92: {  	v1 =	vld [tilespmem:s18+$0x2070]  }
0x93: {  	v2 =	vld [tilespmem:s18+$0x6070]  }
0x94: {  	v3 =	vld [tilespmem:s18+$0x2000]  }
0x95: {  	v4 =	vld [tilespmem:s18+$0x6000]  }
0x96: {  	v5 =	vld [tilespmem:s18+$0x2010]  }
0x97: {  	v6 =	vld [tilespmem:s18+$0x6010]  }
0x98: {  	v7 =	vld [tilespmem:s18+$0x2020]  }
0x99: {  	v1 =	vadd.f32 v2, v1;
	v2 =	vld [tilespmem:s18+$0x6020]  }
0x9a: {  	v8 =	vld [tilespmem:s18+$0x2030]  }
0x9b: {  	v62 =	vld [tilespmem:s18+$0x6030];
	v3 =	vadd.f32 v4, v3;
	v1 =	vadd.f32 v1, v0  }
0x9c: {  	v63 =	vld [tilespmem:s18+$0x2040]  }
0x9d: {  	v11 =	vld [tilespmem:s18+$0x6040];
	v3 =	vadd.f32 v3, v0;
	[tilespmem:s18+$0xA070] =	vst v1;
	v1 =	vadd.f32 v6, v5  }
0x9e: {  	v4 =	vld [tilespmem:s18+$0x6050];
	v2 =	vadd.f32 v2, v7  }
0x9f: {  	[tilespmem:s18+$0xA000] =	vst v3;
	v3 =	vld [tilespmem:s18+$0x2050];
	v1 =	vadd.f32 v1, v0  }
0xa0: {  	v5 =	vld [tilespmem:s18+$0x6060];
	v7 =	vadd.f32 v62, v8;
	v6 =	vadd.f32 v2, v0  }
0xa1: {  	s19 =	simm.s32 $0x80;
	[tilespmem:s18+$0xA010] =	vst v1;
	v1 =	vld [tilespmem:s18+$0x2060]  }
0xa2: {  	s20 =	simm.s32 $0x400;
	v2 =	vld [tilespmem:s19+$0x2070];
	[tilespmem:s18+$0xA020] =	vst v6;
	v6 =	vadd.f32 v7, v0;
	v7 =	vadd.f32 v11, v63  }
.LBB2_7:
0xa3: {  	p0 =	sne.s32 s20, $0x3E00;
	v8 =	vld [tilespmem:s19+$0x6070]  }
0xa4: {  	v9 =	vld [tilespmem:s19+$0x2000];
	[tilespmem:s18+$0xA030] =	vst v6;
	v6 =	vadd.f32 v7, v0;
	v3 =	vadd.f32 v4, v3  }
0xa5: {  	v4 =	vld [tilespmem:s19+$0x6000]  }
0xa6: {  	v7 =	vld [tilespmem:s19+$0x2010];
	[tilespmem:s18+$0xA040] =	vst v6;
	v3 =	vadd.f32 v3, v0;
	v1 =	vadd.f32 v5, v1  }
0xa7: {  	v5 =	vld [tilespmem:s19+$0x6010]  }
0xa8: {  	v6 =	vld [tilespmem:s19+$0x2020];
	v2 =	vadd.f32 v8, v2;
	[tilespmem:s18+$0xA050] =	vst v3;
	v1 =	vadd.f32 v1, v0  }
0xa9: {  	v3 =	vld [tilespmem:s19+$0x6020]  }
0xaa: {  	v4 =	vadd.f32 v4, v9;
	v8 =	vld [tilespmem:s19+$0x2030];
	v2 =	vadd.f32 v2, v0;
	[tilespmem:s18+$0xA060] =	vst v1;
	s18 =	smov.u32 s19  }
0xab: {  	v1 =	vld [tilespmem:s18+$0x6030]  }
0xac: {  	v4 =	vadd.f32 v4, v0;
	v5 =	vadd.f32 v5, v7;
	v7 =	vld [tilespmem:s18+$0x2040];
	[tilespmem:s18+$0xA070] =	vst v2  }
0xad: {  	v9 =	vld [tilespmem:s18+$0x6040]  }
.Ltmp2:
0xae: {  	[tilespmem:s18+$0xA000] =	vst v4;
	v2 =	vadd.f32 v5, v0;
	v5 =	vadd.f32 v3, v6;
	v3 =	vld [tilespmem:s18+$0x2050];
	(pc) =	sbr.rel @p0 .LBB2_7-.Ltmp2, $4  }
0xaf: {  	v4 =	vld [tilespmem:s18+$0x6050]  }
0xb0: {  	[tilespmem:s18+$0xA010] =	vst v2;
	v6 =	vadd.f32 v5, v0;
	v8 =	vadd.f32 v1, v8;
	v1 =	vld [tilespmem:s18+$0x2060]  }
0xb1: {  	s19 =	sshra.s32 s20, $0x2;
	v5 =	vld [tilespmem:s18+$0x6060]  }
0xb2: {  	s20 =	sadd.s32 $0x200, s20;
	v2 =	vld [tilespmem:s19+$0x2070];
	[tilespmem:s18+$0xA020] =	vst v6;
	v6 =	vadd.f32 v8, v0;
	v7 =	vadd.f32 v9, v7  }
0xb3: {  	v8 =	vld [tilespmem:s19+$0x6070]  }
0xb4: {  	v9 =	vld [tilespmem:s19+$0x2000];
	[tilespmem:s18+$0xA030] =	vst v6;
	v6 =	vadd.f32 v7, v0;
	v3 =	vadd.f32 v4, v3  }
0xb5: {  	v7 =	vld [tilespmem:s19+$0x6000]  }
0xb6: {  	v4 =	vld [tilespmem:s19+$0x2010];
	[tilespmem:s18+$0xA040] =	vst v6;
	v3 =	vadd.f32 v3, v0;
	v1 =	vadd.f32 v5, v1  }
0xb7: {  	v6 =	vld [tilespmem:s19+$0x6010]  }
0xb8: {  	v5 =	vld [tilespmem:s19+$0x2020];
	[tilespmem:s18+$0xA050] =	vst v3;
	v1 =	vadd.f32 v1, v0  }
0xb9: {  	v2 =	vadd.f32 v8, v2;
	v3 =	vld [tilespmem:s19+$0x6020]  }
0xba: {  	v8 =	vld [tilespmem:s19+$0x2030];
	[tilespmem:s18+$0xA060] =	vst v1  }
0xbb: {  	v1 =	vadd.f32 v7, v9;
	v2 =	vadd.f32 v2, v0;
	v7 =	vld [tilespmem:s19+$0x6030]  }
0xbc: {  	v61 =	vld [tilespmem:s19+$0x2040]  }
0xbd: {  	v10 =	vld [tilespmem:s19+$0x6060];
	v1 =	vadd.f32 v1, v0;
	[tilespmem:s19+$0xA070] =	vst v2;
	v2 =	vadd.f32 v6, v4  }
0xbe: {  	v4 =	vld [tilespmem:s19+$0x6040]  }
0xbf: {  	v6 =	vld [tilespmem:s19+$0x6050];
	[tilespmem:s19+$0xA000] =	vst v1;
	v1 =	vadd.f32 v2, v0  }
0xc0: {  	v2 =	vld [tilespmem:s19+$0x2050]  }
0xc1: {  	[tilespmem:s19+$0xA010] =	vst v1;
	v1 =	vld [tilespmem:s19+$0x2060]  }
0xc2: {  	v3 =	vadd.f32 v3, v5  }
0xc3: {  	v5 =	vadd.f32 v7, v8  }
0xc4: {  	v3 =	vadd.f32 v3, v0;
	v4 =	vadd.f32 v4, v61  }
0xc5: {  	v5 =	vadd.f32 v5, v0;
	v2 =	vadd.f32 v6, v2  }
0xc6: {  	[tilespmem:s19+$0xA020] =	vst v3;
	v3 =	vadd.f32 v4, v0;
	v1 =	vadd.f32 v10, v1  }
0xc7: {  	[tilespmem:s19+$0xA030] =	vst v5;
	v2 =	vadd.f32 v2, v0  }
0xc8: {  	[tilespmem:s19+$0xA040] =	vst v3;
	v0 =	vadd.f32 v1, v0  }
0xc9: {  	[tilespmem:s19+$0xA050] =	vst v2  }
0xca: {  	[tilespmem:s19+$0xA060] =	vst v0  }
0xcb: {  	s18 =	simm.s32 $0x0;
	v0 =	vld [tilespmem:$0xC030]  }
0xcc: {  	v1 =	vld [tilespmem:s18+$0x3070]  }
0xcd: {  	v2 =	vld [tilespmem:s18+$0x7070]  }
0xce: {  	v3 =	vld [tilespmem:s18+$0x3000]  }
0xcf: {  	v4 =	vld [tilespmem:s18+$0x7000]  }
0xd0: {  	v5 =	vld [tilespmem:s18+$0x3010]  }
0xd1: {  	v6 =	vld [tilespmem:s18+$0x7010]  }
0xd2: {  	v7 =	vld [tilespmem:s18+$0x3020]  }
0xd3: {  	v1 =	vadd.f32 v2, v1;
	v2 =	vld [tilespmem:s18+$0x7020]  }
0xd4: {  	v8 =	vld [tilespmem:s18+$0x3030]  }
0xd5: {  	v62 =	vld [tilespmem:s18+$0x7030];
	v3 =	vadd.f32 v4, v3;
	v1 =	vadd.f32 v1, v0  }
0xd6: {  	v63 =	vld [tilespmem:s18+$0x3040]  }
0xd7: {  	v11 =	vld [tilespmem:s18+$0x7040];
	v3 =	vadd.f32 v3, v0;
	[tilespmem:s18+$0xB070] =	vst v1;
	v1 =	vadd.f32 v6, v5  }
0xd8: {  	v4 =	vld [tilespmem:s18+$0x7050];
	v2 =	vadd.f32 v2, v7  }
0xd9: {  	[tilespmem:s18+$0xB000] =	vst v3;
	v3 =	vld [tilespmem:s18+$0x3050];
	v1 =	vadd.f32 v1, v0  }
0xda: {  	v5 =	vld [tilespmem:s18+$0x7060];
	v7 =	vadd.f32 v62, v8;
	v6 =	vadd.f32 v2, v0  }
0xdb: {  	s19 =	simm.s32 $0x80;
	[tilespmem:s18+$0xB010] =	vst v1;
	v1 =	vld [tilespmem:s18+$0x3060]  }
0xdc: {  	s20 =	simm.s32 $0x400;
	v2 =	vld [tilespmem:s19+$0x3070];
	[tilespmem:s18+$0xB020] =	vst v6;
	v6 =	vadd.f32 v7, v0;
	v7 =	vadd.f32 v11, v63  }
.LBB2_9:
0xdd: {  	p0 =	sne.s32 s20, $0x3E00;
	v8 =	vld [tilespmem:s19+$0x7070]  }
0xde: {  	v9 =	vld [tilespmem:s19+$0x3000];
	[tilespmem:s18+$0xB030] =	vst v6;
	v6 =	vadd.f32 v7, v0;
	v3 =	vadd.f32 v4, v3  }
0xdf: {  	v4 =	vld [tilespmem:s19+$0x7000]  }
0xe0: {  	v7 =	vld [tilespmem:s19+$0x3010];
	[tilespmem:s18+$0xB040] =	vst v6;
	v3 =	vadd.f32 v3, v0;
	v1 =	vadd.f32 v5, v1  }
0xe1: {  	v5 =	vld [tilespmem:s19+$0x7010]  }
0xe2: {  	v6 =	vld [tilespmem:s19+$0x3020];
	v2 =	vadd.f32 v8, v2;
	[tilespmem:s18+$0xB050] =	vst v3;
	v1 =	vadd.f32 v1, v0  }
0xe3: {  	v3 =	vld [tilespmem:s19+$0x7020]  }
0xe4: {  	v4 =	vadd.f32 v4, v9;
	v8 =	vld [tilespmem:s19+$0x3030];
	v2 =	vadd.f32 v2, v0;
	[tilespmem:s18+$0xB060] =	vst v1;
	s18 =	smov.u32 s19  }
0xe5: {  	v1 =	vld [tilespmem:s18+$0x7030]  }
0xe6: {  	v4 =	vadd.f32 v4, v0;
	v5 =	vadd.f32 v5, v7;
	v7 =	vld [tilespmem:s18+$0x3040];
	[tilespmem:s18+$0xB070] =	vst v2  }
0xe7: {  	v9 =	vld [tilespmem:s18+$0x7040]  }
.Ltmp3:
0xe8: {  	[tilespmem:s18+$0xB000] =	vst v4;
	v2 =	vadd.f32 v5, v0;
	v5 =	vadd.f32 v3, v6;
	v3 =	vld [tilespmem:s18+$0x3050];
	(pc) =	sbr.rel @p0 .LBB2_9-.Ltmp3, $4  }
0xe9: {  	v4 =	vld [tilespmem:s18+$0x7050]  }
0xea: {  	[tilespmem:s18+$0xB010] =	vst v2;
	v6 =	vadd.f32 v5, v0;
	v8 =	vadd.f32 v1, v8;
	v1 =	vld [tilespmem:s18+$0x3060]  }
0xeb: {  	s19 =	sshra.s32 s20, $0x2;
	v5 =	vld [tilespmem:s18+$0x7060]  }
0xec: {  	s20 =	sadd.s32 $0x200, s20;
	v2 =	vld [tilespmem:s19+$0x3070];
	[tilespmem:s18+$0xB020] =	vst v6;
	v6 =	vadd.f32 v8, v0;
	v7 =	vadd.f32 v9, v7  }
0xed: {  	v8 =	vld [tilespmem:s19+$0x7070]  }
0xee: {  	v9 =	vld [tilespmem:s19+$0x3000];
	[tilespmem:s18+$0xB030] =	vst v6;
	v47 =	vadd.f32 v7, v0;
	v3 =	vadd.f32 v4, v3  }
0xef: {  	v48 =	vld [tilespmem:s19+$0x7000]  }
0xf0: {  	v49 =	vld [tilespmem:s19+$0x3010];
	[tilespmem:s18+$0xB040] =	vst v47;
	v3 =	vadd.f32 v3, v0;
	v1 =	vadd.f32 v5, v1  }
0xf1: {  	v6 =	vld [tilespmem:s19+$0x7010]  }
0xf2: {  	v50 =	vld [tilespmem:s19+$0x3020];
	[tilespmem:s18+$0xB050] =	vst v3;
	v1 =	vadd.f32 v1, v0  }
0xf3: {  	v3 =	vld [tilespmem:s19+$0x7020]  }
0xf4: {  	v51 =	vld [tilespmem:s19+$0x3030];
	[tilespmem:s18+$0xB060] =	vst v1  }
0xf5: {  	v53 =	vld [tilespmem:s19+$0x7030]  }
0xf6: {  	v54 =	vld [tilespmem:s19+$0x3040]  }
0xf7: {  	v56 =	vld [tilespmem:s19+$0x7040]  }
0xf8: {  	v58 =	vld [tilespmem:s19+$0x3050]  }
0xf9: {  	v2 =	vadd.f32 v8, v2;
	v59 =	vld [tilespmem:s19+$0x7050]  }
0xfa: {  	v52 =	vadd.f32 v48, v9;
	v60 =	vld [tilespmem:s19+$0x3060]  }
0xfb: {  	v2 =	vadd.f32 v2, v0;
	v10 =	vld [tilespmem:s19+$0x7060];
	v55 =	vadd.f32 v6, v49  }
0xfc: {  	v1 =	vadd.f32 v52, v0;
	v3 =	vadd.f32 v3, v50  }
0xfd: {  	[tilespmem:s19+$0xB070] =	vst v2;
	v57 =	vadd.f32 v55, v0;
	v61 =	vadd.f32 v53, v51  }
0xfe: {  	[tilespmem:s19+$0xB000] =	vst v1;
	v3 =	vadd.f32 v3, v0;
	v4 =	vadd.f32 v56, v54  }
0xff: {  	[tilespmem:s19+$0xB010] =	vst v57;
	v2 =	vadd.f32 v59, v58;
	v5 =	vadd.f32 v61, v0  }
0x100: {  	v1 =	vadd.f32 v10, v60;
	[tilespmem:s19+$0xB020] =	vst v3;
	v62 =	vadd.f32 v4, v0  }
0x101: {  	v2 =	vadd.f32 v2, v0;
	[tilespmem:s19+$0xB030] =	vst v5  }
0x102: {  	s16 =	sadd.s32 $0x1, s16;
	v63 =	vadd.f32 v1, v0;
	[tilespmem:s19+$0xB040] =	vst v62  }
0x103: {  	p0 =	sne.s32 s16, $0x64;
	[tilespmem:s19+$0xB050] =	vst v2  }
.Ltmp4:
0x104: {  	s17 =	sadd.s32 s6, s17;
	[tilespmem:s19+$0xB060] =	vst v63;
	(pc) =	sbr.rel @p0 .LBB2_2-.Ltmp4, $4  }
0x105: {  	[hbm4b:s17+s2] =	stream.linear.scatter [tilespmem:s14], [sflag:$0x3], $0x4000, $0x38;
	[tilespmem:$0xC080] =	vst v63  }
0x106: {  	_ =	swait.ge [sflag:s11], $0x4000  }
0x107: {  	[sflag:s11] =	ssyncset.done $0x0  }
0x108: {  	[sflag:s11] =	ssyncadd.s32 $0xFFFFC000  }
0x109: {  	s15 =	sadd.s32 $0x1, s15  }
0x10a: {  	p0 =	sne.s32 s15, s8  }
.Ltmp5:
0x10b: {  	_ = 	snop;
	(pc) =	sbr.rel @p0 .LBB2_1-.Ltmp5, $1  }
0x10c: {  	_ =	sdelay $0x3  }
0x10d: {  	_ =	sfence.sel $0x180000  }
0x10e: {  	[bflag:$0x0] =	sbarrier.arrive $0xFFFF  }
0x10f: {  	p0 =	sne.s32 s3, $0x0;
	_ =	strace $0x90000047  }
0x110: {  	s0 =	sadd.s32 @!p0 $0x100000, s0;
	[bflag:$0x2] =	sbarrier.arrive $0xFFFF  }
0x111: {  	[sflag:s0] =	ssyncadd.tile.s32 @!p0 $0x1;
	_ =	shalt  }
.Lfunc_end2:
_tile_overlayer_lowered:
.L_overlay_start_2:
0x112: {  	(tag) =	ssettag $0x2  }
0x113: {  	s0 =	rddreg [dreg:$0x0];
	s2 =	stileid.u32  }
0x114: {  	s1 =	rddreg [dreg:$0x1];
	p0 =	sne.s32 s2, $0x0  }
0x115: {  	s3 =	rddreg [dreg:$0x2];
	[bflag:$0x3] =	sbarrier.arrive $0xFFFF;
	s2 =	simm.s32 @!p0 $0x1C03  }
0x116: {  	[timem:s3], [sflag:s2] =	dma.local @!p0 [hbm:s0], s1  }
0x117: {  	s0 =	simm.s32 @!p0 $0x3  }
0x118: {  	_ =	swait.ge @!p0 [sflag:s0], s1  }
0x119: {  	s1 =	ssub.s32 @!p0 $0x0, s1;
	[sflag:s0] =	ssyncset.done @!p0 $0x0  }
0x11a: {  	[sflag:s0] =	ssyncadd.s32 @!p0 s1  }
0x11b: {  	[bflag:$0x3] =	sbarrier.arrive $0xFFFF  }
0x11c: {  	_ =	shalt  }

</sc_bundles>
